<compile_context>
chip_gen: v7x
topology: tpu7x:2x2x1
jax: 0.10.2.dev20260603
libtpu: 0.0.44.dev20260713+nightly
codegen_flags: <defaults>
</compile_context>

<pallas_src>
import functools

import jax
import jax.numpy as jnp
import numpy as np
from jax import lax
from jax.experimental import pallas as pl
from jax.experimental.pallas import tpu as pltpu
from jax.experimental.pallas import tpu_sc as plsc

_B, _H, _W = 8, 256, 256
_K = 16
_EMBED = 256
_NPF = _EMBED // 2

_NC, _NS, _L = 2, 16, 16
_NWORK = _NC * _NS
_ROWS = _B * _H
_RPW = _ROWS // _NWORK
_GRP = _W // _L


_RGRP = _RPW // _L


def _sc_scan_body(imap_hbm, rowout_hbm, colout_hbm, chunk_v, rowsc_v, colacc_v):
    wid = lax.axis_index("s") * _NC + lax.axis_index("c")
    base = wid * _RPW
    pltpu.sync_copy(imap_hbm.at[pl.ds(base, _RPW)], chunk_v)

    zero = jnp.zeros((_L,), jnp.int32)
    lane = lax.iota(jnp.int32, _L)

    gdn = lax.GatherDimensionNumbers(
        offset_dims=(), collapsed_slice_dims=(0,), start_index_map=(0,))

    def lane_or_all(v):
        for step in (8, 4, 2, 1):
            perm = lax.gather(
                v, (lane ^ step)[:, None], gdn, (1,),
                mode=lax.GatherScatterMode.PROMISE_IN_BOUNDS)
            v = v | perm
        return v

    def grp_body(g, cols):
        rowacc = zero
        cols = list(cols)
        for rr in range(_L):
            r = g * _L + rr
            rowvec = zero
            for j in range(_GRP):
                v = chunk_v[r, pl.ds(j * _L, _L)]
                bits = jnp.left_shift(jnp.int32(1), v)
                rowvec = jnp.bitwise_or(rowvec, bits)
                cols[j] = jnp.bitwise_or(cols[j], bits)
            rowacc = jnp.where(lane == rr, lane_or_all(rowvec), rowacc)
        rowsc_v[g, :] = rowacc
        return tuple(cols)

    cols = (zero,) * _GRP
    for j in range(_GRP):
        colacc_v[0, pl.ds(j * _L, _L)] = cols[j]
        rowsc_v[j % _RGRP, :] = cols[j]

    pltpu.sync_copy(rowsc_v, rowout_hbm.at[pl.ds(wid * _RGRP, _RGRP)])
    pltpu.sync_copy(colacc_v, colout_hbm.at[pl.ds(wid, 1)])


@functools.cache
def _sc_scan():
    return functools.partial(
        pl.kernel,
        out_type=[
            jax.ShapeDtypeStruct((_ROWS // _L, _L), jnp.int32),
            jax.ShapeDtypeStruct((_NWORK, _W), jnp.int32),
        ],
        mesh=plsc.VectorSubcoreMesh(
            core_axis_name="c", subcore_axis_name="s",
            num_cores=_NC, num_subcores=_NS),
        scratch_types=[
            pltpu.VMEM((_RPW, _W), jnp.int32),
            pltpu.VMEM((_RGRP, _L), jnp.int32),
            pltpu.VMEM((1, _W), jnp.int32),
        ],
    )(_sc_scan_body)


def _tc_embed_kernel(rowbits_ref, colparts_ref, g_ref, pe2_ref, pe3_ref, out_ref):
    rowbits = rowbits_ref[0]
    cp = colparts_ref[0]
    colbits = (cp[0:1] | cp[1:2]) | (cp[2:3] | cp[3:4])

    ids = jax.lax.broadcasted_iota(jnp.int32, (_K, 1), 0) + 1

    colk = jnp.bitwise_and(jnp.right_shift(colbits, ids), 1)
    xx = jax.lax.broadcasted_iota(jnp.int32, (_K, _W), 1)
    min_x = jnp.min(jnp.where(colk == 1, xx, _W), axis=1, keepdims=True)
    max_x = jnp.max(jnp.where(colk == 1, xx, -1), axis=1, keepdims=True)

    rowk = jnp.bitwise_and(jnp.right_shift(rowbits, ids), 1)
    yy = jax.lax.broadcasted_iota(jnp.int32, (_K, _H), 1)
    min_y = jnp.min(jnp.where(rowk == 1, yy, _H), axis=1, keepdims=True)
    max_y = jnp.max(jnp.where(rowk == 1, yy, -1), axis=1, keepdims=True)

    def norm(v, denom):
        return (v.astype(jnp.float32) + 0.5) / denom * 2.0 - 1.0

    c0x = norm(min_x, float(_W))
    c0y = norm(min_y, float(_H))
    c1x = norm(max_x, float(_W))
    c1y = norm(max_y, float(_H))

    g = g_ref[...]
    def b16(v):
        return v.astype(jnp.bfloat16).astype(jnp.float32)

    g0 = b16(g[0:1, :])
    g1 = b16(g[1:2, :])
    c0x, c0y, c1x, c1y = b16(c0x), b16(c0y), b16(c1x), b16(c1y)
    two_pi = jnp.float32(2.0 * np.pi)

    pe0 = two_pi * (c0x * g0 + c0y * g1)
    pe1 = two_pi * (c1x * g0 + c1y * g1)

    emb0 = jnp.concatenate([jnp.sin(pe0), jnp.cos(pe0)], axis=1) + pe2_ref[...]
    emb1 = jnp.concatenate([jnp.sin(pe1), jnp.cos(pe1)], axis=1) + pe3_ref[...]

    out_ref[...] = jnp.concatenate([emb0, emb1], axis=1)


@jax.jit
def _run(instance_map, G, pe2, pe3):
    imap2d = instance_map.reshape(_ROWS, _W)
    rowbits, colparts = _sc_scan()(imap2d)
    rowbits = rowbits.reshape(_B, 1, _H)
    colparts = colparts.reshape(_B, _NWORK // _B, _W)
    return pl.pallas_call(
        _tc_embed_kernel,
        grid=(_B,),
        in_specs=[
            pl.BlockSpec((1, 1, _H), lambda b: (b, 0, 0)),
            pl.BlockSpec((1, _NWORK // _B, _W), lambda b: (b, 0, 0)),
            pl.BlockSpec((2, _NPF), lambda b: (0, 0)),
            pl.BlockSpec((1, _EMBED), lambda b: (0, 0)),
            pl.BlockSpec((1, _EMBED), lambda b: (0, 0)),
        ],
        out_specs=pl.BlockSpec((_K, 2 * _EMBED), lambda b: (b, 0)),
        out_shape=jax.ShapeDtypeStruct((_B * _K, 2 * _EMBED), jnp.float32),
    )(rowbits, colparts, G, pe2, pe3)


def kernel(seg, instance_map, G, pe2, pe3):
    del seg
    return _run(instance_map, G, pe2, pe3)

# --- scband reference (transcript-rebuilt; emitter-appended) ---
"""Pipeline reference for scband-geo-struct-59322088292888 (READ-ONLY COPY).

The authoritative reference and input builder live on the scoring server;
editing this copy changes nothing except your own understanding.
"""

import jax, jax.numpy as jnp
import numpy as np

B, H, W = 8, 256, 256
K = 16
EMBED = 256
NPF = EMBED // 2
IMG = (256, 256)  # (H, W) input_image_size


def setup_inputs(seed: int = 0) -> dict:
    key = jax.random.key(seed)
    k1, k2, k3, k4, k5 = jax.random.split(key, 5)
    seg = jax.random.normal(k1, (B, 1, H, W), dtype=jnp.float32)
    # instance ids in [0, K]; 0 is background. With 65536 pixels per image and 17
    # values, every id 1..K appears in every image w.h.p., so torch.unique per
    # image yields exactly ids 1..K (sorted), matching the fixed-K vectorization.
    instance_map = jax.random.randint(k2, (B, H, W), 0, K + 1, dtype=jnp.int32)
    # PromptEncoder learned params used by _embed_boxes:
    # PositionEmbeddingRandom gaussian matrix (2, num_pos_feats), scale=1
    G = jax.random.normal(k3, (2, NPF), dtype=jnp.float32)
    # point_embeddings[2] / [3] (nn.Embedding(1, embed_dim) weights)
    pe2 = jax.random.normal(k4, (1, EMBED), dtype=jnp.float32)
    pe3 = jax.random.normal(k5, (1, EMBED), dtype=jnp.float32)
    return {"seg": seg, "instance_map": instance_map, "G": G, "pe2": pe2, "pe3": pe3}


def _extract_bboxes(instance_map):
    # Faithful to extract_object_regions: per batch, per sorted unique id > 0,
    # bbox = [min_x, min_y, max_x, max_y] of the id's mask. Order: batch-major,
    # ascending id (torch.unique returns sorted values).
    ids = jnp.arange(1, K + 1)
    mask = instance_map[:, None, :, :] == ids[None, :, None, None]  # (B,K,H,W)
    yy = jnp.arange(H)[None, None, :, None]
    xx = jnp.arange(W)[None, None, None, :]
    min_y = jnp.min(jnp.where(mask, yy, H), axis=(2, 3))
    min_x = jnp.min(jnp.where(mask, xx, W), axis=(2, 3))
    max_y = jnp.max(jnp.where(mask, yy, -1), axis=(2, 3))
    max_x = jnp.max(jnp.where(mask, xx, -1), axis=(2, 3))
    bboxes = jnp.stack([min_x, min_y, max_x, max_y], axis=-1)  # (B,K,4)
    return bboxes.reshape(B * K, 4).astype(jnp.float32)


def reference(seg, instance_map, G, pe2, pe3):
    # forward(seg, instance_map): extract per-instance bboxes then SAM
    # PromptEncoder._embed_boxes. Note: seg is only used for labels, which are
    # not part of the returned geo_embedding.
    bboxes = _extract_bboxes(instance_map)            # (N, 4), N = B*K
    coords = (bboxes + 0.5).reshape(-1, 2, 2)         # (N, 2, 2)
    # forward_with_coords: normalize x by image W, y by image H
    coords = coords / jnp.array([IMG[1], IMG[0]], dtype=jnp.float32)
    # _pe_encoding
    coords = 2.0 * coords - 1.0
    pe = coords @ G                                   # (N, 2, NPF)
    pe = (2.0 * np.pi) * pe
    pe = jnp.concatenate([jnp.sin(pe), jnp.cos(pe)], axis=-1)  # (N, 2, 256)
    pe = pe.at[:, 0, :].add(pe2[0])
    pe = pe.at[:, 1, :].add(pe3[0])
    return pe.reshape(pe.shape[0], -1)                # (N, 512)

if __name__ == "__main__":
    import jax
    _d = setup_inputs()
    print(jax.jit(kernel)(*tuple(_d.values())))

</pallas_src>

<mosaic_0001>
#map = affine_map<(d0, d1) -> (0, 0)>
module attributes {stable_mosaic.version = 14 : i64} {
  func.func @_sc_scan_body(%arg0: i32, %arg1: i32, %arg2: memref<2048x256xi32, #tpu.memory_space<hbm>>, %arg3: memref<128x16xi32, #tpu.memory_space<hbm>>, %arg4: memref<32x256xi32, #tpu.memory_space<hbm>>, %arg5: memref<64x256xi32, #tpu.memory_space<vmem>>, %arg6: memref<4x16xi32, #tpu.memory_space<vmem>>, %arg7: memref<1x256xi32, #tpu.memory_space<vmem>>) attributes {dimension_semantics = [#tpu.dimension_semantics<core_parallel>, #tpu.dimension_semantics<subcore_parallel>], iteration_bounds = array<i64: 2, 16>, scalar_prefetch = 0 : i64, scratch_operands = 3 : i64, tpu.core_type = #tpu.core_type<sc_vector_subcore>, window_params = [{transform_indices = #map}, {transform_indices = #map}, {transform_indices = #map}]} {
    %mul3A = arith.constant 2 : i32
    %mul3A_0 = arith.muli %arg1, %mul3A : i32
    %add3A = arith.addi %mul3A_0, %arg0 : i32
    %mul3A_1 = arith.constant 64 : i32
    %mul3A_2 = arith.muli %add3A, %mul3A_1 : i32
    "tpu.region"() ({
      %run_scoped3A = tpu.sem_alloc : memref<!tpu.dma_semaphore, #tpu.memory_space<semaphore_mem>>
      %dma_start3A = arith.constant 0 : i32
      %dma_start3A_197 = tpu.memref_slice %arg2[%mul3A_2, %dma_start3A] : memref<2048x256xi32, #tpu.memory_space<hbm>> -> memref<64x256xi32, #tpu.memory_space<hbm>>
      %dma_start3A_198 = arith.constant 0 : i32
      %dma_start3A_199 = tpu.memref_slice %arg2[%mul3A_2, %dma_start3A_198] : memref<2048x256xi32, #tpu.memory_space<hbm>> -> memref<64x256xi32, #tpu.memory_space<hbm>>
      tpu.enqueue_dma source(%dma_start3A_199 : memref<64x256xi32, #tpu.memory_space<hbm>>) target(%arg5 : memref<64x256xi32, #tpu.memory_space<vmem>>) target_semaphore(%run_scoped3A : memref<!tpu.dma_semaphore, #tpu.memory_space<semaphore_mem>>)
      %dma_wait3A = arith.constant 0 : i32
      %dma_wait3A_200 = tpu.memref_slice %arg2[%mul3A_2, %dma_wait3A] : memref<2048x256xi32, #tpu.memory_space<hbm>> -> memref<64x256xi32, #tpu.memory_space<hbm>>
      %dma_wait3A_201 = arith.constant 0 : i32
      %dma_wait3A_202 = tpu.memref_slice %arg2[%mul3A_2, %dma_wait3A_201] : memref<2048x256xi32, #tpu.memory_space<hbm>> -> memref<64x256xi32, #tpu.memory_space<hbm>>
      tpu.wait_dma2 semaphore(%run_scoped3A : memref<!tpu.dma_semaphore, #tpu.memory_space<semaphore_mem>>) src(%dma_wait3A_202 : memref<64x256xi32, #tpu.memory_space<hbm>>) dst(%arg5 : memref<64x256xi32, #tpu.memory_space<vmem>>)
      tpu.yield
    }) : () -> ()
    %broadcast_in_dim3A = arith.constant 0 : i32
    %broadcast_in_dim3A_3 = vector.broadcast %broadcast_in_dim3A : i32 to vector<16xi32>
    %iota3A = tpu.iota {dimensions = array<i32: 0>} : vector<16xi32>
    %swap3A = arith.constant 0 : i32
    %swap3A_4 = arith.index_cast %swap3A : i32 to index
    %swap3A_5 = arith.constant 0 : index
    %swap3A_6 = tpu.vector_load %arg7[%swap3A_4, %swap3A_5] {strides = array<i32>} : memref<1x256xi32, #tpu.memory_space<vmem>>, vector<1x16xi32>,
    %swap3A_7 = vector.shape_cast %swap3A_6 : vector<1x16xi32> to vector<16xi32>
    %swap3A_8 = vector.shape_cast %broadcast_in_dim3A_3 : vector<16xi32> to vector<1x16xi32>
    tpu.vector_store %arg7[%swap3A_4, %swap3A_5], %swap3A_8 {strides = array<i32>} : memref<1x256xi32, #tpu.memory_space<vmem>>, vector<1x16xi32>,
    %swap3A_9 = arith.constant 0 : i32
    %swap3A_10 = arith.index_cast %swap3A_9 : i32 to index
    %swap3A_11 = arith.constant 0 : index
    %swap3A_12 = tpu.vector_load %arg6[%swap3A_10, %swap3A_11] {strides = array<i32>} : memref<4x16xi32, #tpu.memory_space<vmem>>, vector<1x16xi32>,
    %swap3A_13 = vector.shape_cast %swap3A_12 : vector<1x16xi32> to vector<16xi32>
    %swap3A_14 = vector.shape_cast %broadcast_in_dim3A_3 : vector<16xi32> to vector<1x16xi32>
    tpu.vector_store %arg6[%swap3A_10, %swap3A_11], %swap3A_14 {strides = array<i32>} : memref<4x16xi32, #tpu.memory_space<vmem>>, vector<1x16xi32>,
    %swap3A_15 = arith.constant 0 : i32
    %swap3A_16 = arith.index_cast %swap3A_15 : i32 to index
    %swap3A_17 = arith.constant 16 : index
    %swap3A_18 = tpu.vector_load %arg7[%swap3A_16, %swap3A_17] {strides = array<i32>} : memref<1x256xi32, #tpu.memory_space<vmem>>, vector<1x16xi32>,
    %swap3A_19 = vector.shape_cast %swap3A_18 : vector<1x16xi32> to vector<16xi32>
    %swap3A_20 = vector.shape_cast %broadcast_in_dim3A_3 : vector<16xi32> to vector<1x16xi32>
    tpu.vector_store %arg7[%swap3A_16, %swap3A_17], %swap3A_20 {strides = array<i32>} : memref<1x256xi32, #tpu.memory_space<vmem>>, vector<1x16xi32>,
    %swap3A_21 = arith.constant 1 : i32
    %swap3A_22 = arith.index_cast %swap3A_21 : i32 to index
    %swap3A_23 = arith.constant 0 : index
    %swap3A_24 = tpu.vector_load %arg6[%swap3A_22, %swap3A_23] {strides = array<i32>} : memref<4x16xi32, #tpu.memory_space<vmem>>, vector<1x16xi32>,
    %swap3A_25 = vector.shape_cast %swap3A_24 : vector<1x16xi32> to vector<16xi32>
    %swap3A_26 = vector.shape_cast %broadcast_in_dim3A_3 : vector<16xi32> to vector<1x16xi32>
    tpu.vector_store %arg6[%swap3A_22, %swap3A_23], %swap3A_26 {strides = array<i32>} : memref<4x16xi32, #tpu.memory_space<vmem>>, vector<1x16xi32>,
    %swap3A_27 = arith.constant 0 : i32
    %swap3A_28 = arith.index_cast %swap3A_27 : i32 to index
    %swap3A_29 = arith.constant 32 : index
    %swap3A_30 = tpu.vector_load %arg7[%swap3A_28, %swap3A_29] {strides = array<i32>} : memref<1x256xi32, #tpu.memory_space<vmem>>, vector<1x16xi32>,
    %swap3A_31 = vector.shape_cast %swap3A_30 : vector<1x16xi32> to vector<16xi32>
    %swap3A_32 = vector.shape_cast %broadcast_in_dim3A_3 : vector<16xi32> to vector<1x16xi32>
    tpu.vector_store %arg7[%swap3A_28, %swap3A_29], %swap3A_32 {strides = array<i32>} : memref<1x256xi32, #tpu.memory_space<vmem>>, vector<1x16xi32>,
    %swap3A_33 = arith.constant 2 : i32
    %swap3A_34 = arith.index_cast %swap3A_33 : i32 to index
    %swap3A_35 = arith.constant 0 : index
    %swap3A_36 = tpu.vector_load %arg6[%swap3A_34, %swap3A_35] {strides = array<i32>} : memref<4x16xi32, #tpu.memory_space<vmem>>, vector<1x16xi32>,
    %swap3A_37 = vector.shape_cast %swap3A_36 : vector<1x16xi32> to vector<16xi32>
    %swap3A_38 = vector.shape_cast %broadcast_in_dim3A_3 : vector<16xi32> to vector<1x16xi32>
    tpu.vector_store %arg6[%swap3A_34, %swap3A_35], %swap3A_38 {strides = array<i32>} : memref<4x16xi32, #tpu.memory_space<vmem>>, vector<1x16xi32>,
    %swap3A_39 = arith.constant 0 : i32
    %swap3A_40 = arith.index_cast %swap3A_39 : i32 to index
    %swap3A_41 = arith.constant 48 : index
    %swap3A_42 = tpu.vector_load %arg7[%swap3A_40, %swap3A_41] {strides = array<i32>} : memref<1x256xi32, #tpu.memory_space<vmem>>, vector<1x16xi32>,
    %swap3A_43 = vector.shape_cast %swap3A_42 : vector<1x16xi32> to vector<16xi32>
    %swap3A_44 = vector.shape_cast %broadcast_in_dim3A_3 : vector<16xi32> to vector<1x16xi32>
    tpu.vector_store %arg7[%swap3A_40, %swap3A_41], %swap3A_44 {strides = array<i32>} : memref<1x256xi32, #tpu.memory_space<vmem>>, vector<1x16xi32>,
    %swap3A_45 = arith.constant 3 : i32
    %swap3A_46 = arith.index_cast %swap3A_45 : i32 to index
    %swap3A_47 = arith.constant 0 : index
    %swap3A_48 = tpu.vector_load %arg6[%swap3A_46, %swap3A_47] {strides = array<i32>} : memref<4x16xi32, #tpu.memory_space<vmem>>, vector<1x16xi32>,
    %swap3A_49 = vector.shape_cast %swap3A_48 : vector<1x16xi32> to vector<16xi32>
    %swap3A_50 = vector.shape_cast %broadcast_in_dim3A_3 : vector<16xi32> to vector<1x16xi32>
    tpu.vector_store %arg6[%swap3A_46, %swap3A_47], %swap3A_50 {strides = array<i32>} : memref<4x16xi32, #tpu.memory_space<vmem>>, vector<1x16xi32>,
    %swap3A_51 = arith.constant 0 : i32
    %swap3A_52 = arith.index_cast %swap3A_51 : i32 to index
    %swap3A_53 = arith.constant 64 : index
    %swap3A_54 = tpu.vector_load %arg7[%swap3A_52, %swap3A_53] {strides = array<i32>} : memref<1x256xi32, #tpu.memory_space<vmem>>, vector<1x16xi32>,
    %swap3A_55 = vector.shape_cast %swap3A_54 : vector<1x16xi32> to vector<16xi32>
    %swap3A_56 = vector.shape_cast %broadcast_in_dim3A_3 : vector<16xi32> to vector<1x16xi32>
    tpu.vector_store %arg7[%swap3A_52, %swap3A_53], %swap3A_56 {strides = array<i32>} : memref<1x256xi32, #tpu.memory_space<vmem>>, vector<1x16xi32>,
    %swap3A_57 = arith.constant 0 : i32
    %swap3A_58 = arith.index_cast %swap3A_57 : i32 to index
    %swap3A_59 = arith.constant 0 : index
    %swap3A_60 = tpu.vector_load %arg6[%swap3A_58, %swap3A_59] {strides = array<i32>} : memref<4x16xi32, #tpu.memory_space<vmem>>, vector<1x16xi32>,
    %swap3A_61 = vector.shape_cast %swap3A_60 : vector<1x16xi32> to vector<16xi32>
    %swap3A_62 = vector.shape_cast %broadcast_in_dim3A_3 : vector<16xi32> to vector<1x16xi32>
    tpu.vector_store %arg6[%swap3A_58, %swap3A_59], %swap3A_62 {strides = array<i32>} : memref<4x16xi32, #tpu.memory_space<vmem>>, vector<1x16xi32>,
    %swap3A_63 = arith.constant 0 : i32
    %swap3A_64 = arith.index_cast %swap3A_63 : i32 to index
    %swap3A_65 = arith.constant 80 : index
    %swap3A_66 = tpu.vector_load %arg7[%swap3A_64, %swap3A_65] {strides = array<i32>} : memref<1x256xi32, #tpu.memory_space<vmem>>, vector<1x16xi32>,
    %swap3A_67 = vector.shape_cast %swap3A_66 : vector<1x16xi32> to vector<16xi32>
    %swap3A_68 = vector.shape_cast %broadcast_in_dim3A_3 : vector<16xi32> to vector<1x16xi32>
    tpu.vector_store %arg7[%swap3A_64, %swap3A_65], %swap3A_68 {strides = array<i32>} : memref<1x256xi32, #tpu.memory_space<vmem>>, vector<1x16xi32>,
    %swap3A_69 = arith.constant 1 : i32
    %swap3A_70 = arith.index_cast %swap3A_69 : i32 to index
    %swap3A_71 = arith.constant 0 : index
    %swap3A_72 = tpu.vector_load %arg6[%swap3A_70, %swap3A_71] {strides = array<i32>} : memref<4x16xi32, #tpu.memory_space<vmem>>, vector<1x16xi32>,
    %swap3A_73 = vector.shape_cast %swap3A_72 : vector<1x16xi32> to vector<16xi32>
    %swap3A_74 = vector.shape_cast %broadcast_in_dim3A_3 : vector<16xi32> to vector<1x16xi32>
    tpu.vector_store %arg6[%swap3A_70, %swap3A_71], %swap3A_74 {strides = array<i32>} : memref<4x16xi32, #tpu.memory_space<vmem>>, vector<1x16xi32>,
    %swap3A_75 = arith.constant 0 : i32
    %swap3A_76 = arith.index_cast %swap3A_75 : i32 to index
    %swap3A_77 = arith.constant 96 : index
    %swap3A_78 = tpu.vector_load %arg7[%swap3A_76, %swap3A_77] {strides = array<i32>} : memref<1x256xi32, #tpu.memory_space<vmem>>, vector<1x16xi32>,
    %swap3A_79 = vector.shape_cast %swap3A_78 : vector<1x16xi32> to vector<16xi32>
    %swap3A_80 = vector.shape_cast %broadcast_in_dim3A_3 : vector<16xi32> to vector<1x16xi32>
    tpu.vector_store %arg7[%swap3A_76, %swap3A_77], %swap3A_80 {strides = array<i32>} : memref<1x256xi32, #tpu.memory_space<vmem>>, vector<1x16xi32>,
    %swap3A_81 = arith.constant 2 : i32
    %swap3A_82 = arith.index_cast %swap3A_81 : i32 to index
    %swap3A_83 = arith.constant 0 : index
    %swap3A_84 = tpu.vector_load %arg6[%swap3A_82, %swap3A_83] {strides = array<i32>} : memref<4x16xi32, #tpu.memory_space<vmem>>, vector<1x16xi32>,
    %swap3A_85 = vector.shape_cast %swap3A_84 : vector<1x16xi32> to vector<16xi32>
    %swap3A_86 = vector.shape_cast %broadcast_in_dim3A_3 : vector<16xi32> to vector<1x16xi32>
    tpu.vector_store %arg6[%swap3A_82, %swap3A_83], %swap3A_86 {strides = array<i32>} : memref<4x16xi32, #tpu.memory_space<vmem>>, vector<1x16xi32>,
    %swap3A_87 = arith.constant 0 : i32
    %swap3A_88 = arith.index_cast %swap3A_87 : i32 to index
    %swap3A_89 = arith.constant 112 : index
    %swap3A_90 = tpu.vector_load %arg7[%swap3A_88, %swap3A_89] {strides = array<i32>} : memref<1x256xi32, #tpu.memory_space<vmem>>, vector<1x16xi32>,
    %swap3A_91 = vector.shape_cast %swap3A_90 : vector<1x16xi32> to vector<16xi32>
    %swap3A_92 = vector.shape_cast %broadcast_in_dim3A_3 : vector<16xi32> to vector<1x16xi32>
    tpu.vector_store %arg7[%swap3A_88, %swap3A_89], %swap3A_92 {strides = array<i32>} : memref<1x256xi32, #tpu.memory_space<vmem>>, vector<1x16xi32>,
    %swap3A_93 = arith.constant 3 : i32
    %swap3A_94 = arith.index_cast %swap3A_93 : i32 to index
    %swap3A_95 = arith.constant 0 : index
    %swap3A_96 = tpu.vector_load %arg6[%swap3A_94, %swap3A_95] {strides = array<i32>} : memref<4x16xi32, #tpu.memory_space<vmem>>, vector<1x16xi32>,
    %swap3A_97 = vector.shape_cast %swap3A_96 : vector<1x16xi32> to vector<16xi32>
    %swap3A_98 = vector.shape_cast %broadcast_in_dim3A_3 : vector<16xi32> to vector<1x16xi32>
    tpu.vector_store %arg6[%swap3A_94, %swap3A_95], %swap3A_98 {strides = array<i32>} : memref<4x16xi32, #tpu.memory_space<vmem>>, vector<1x16xi32>,
    %swap3A_99 = arith.constant 0 : i32
    %swap3A_100 = arith.index_cast %swap3A_99 : i32 to index
    %swap3A_101 = arith.constant 128 : index
    %swap3A_102 = tpu.vector_load %arg7[%swap3A_100, %swap3A_101] {strides = array<i32>} : memref<1x256xi32, #tpu.memory_space<vmem>>, vector<1x16xi32>,
    %swap3A_103 = vector.shape_cast %swap3A_102 : vector<1x16xi32> to vector<16xi32>
    %swap3A_104 = vector.shape_cast %broadcast_in_dim3A_3 : vector<16xi32> to vector<1x16xi32>
    tpu.vector_store %arg7[%swap3A_100, %swap3A_101], %swap3A_104 {strides = array<i32>} : memref<1x256xi32, #tpu.memory_space<vmem>>, vector<1x16xi32>,
    %swap3A_105 = arith.constant 0 : i32
    %swap3A_106 = arith.index_cast %swap3A_105 : i32 to index
    %swap3A_107 = arith.constant 0 : index
    %swap3A_108 = tpu.vector_load %arg6[%swap3A_106, %swap3A_107] {strides = array<i32>} : memref<4x16xi32, #tpu.memory_space<vmem>>, vector<1x16xi32>,
    %swap3A_109 = vector.shape_cast %swap3A_108 : vector<1x16xi32> to vector<16xi32>
    %swap3A_110 = vector.shape_cast %broadcast_in_dim3A_3 : vector<16xi32> to vector<1x16xi32>
    tpu.vector_store %arg6[%swap3A_106, %swap3A_107], %swap3A_110 {strides = array<i32>} : memref<4x16xi32, #tpu.memory_space<vmem>>, vector<1x16xi32>,
    %swap3A_111 = arith.constant 0 : i32
    %swap3A_112 = arith.index_cast %swap3A_111 : i32 to index
    %swap3A_113 = arith.constant 144 : index
    %swap3A_114 = tpu.vector_load %arg7[%swap3A_112, %swap3A_113] {strides = array<i32>} : memref<1x256xi32, #tpu.memory_space<vmem>>, vector<1x16xi32>,
    %swap3A_115 = vector.shape_cast %swap3A_114 : vector<1x16xi32> to vector<16xi32>
    %swap3A_116 = vector.shape_cast %broadcast_in_dim3A_3 : vector<16xi32> to vector<1x16xi32>
    tpu.vector_store %arg7[%swap3A_112, %swap3A_113], %swap3A_116 {strides = array<i32>} : memref<1x256xi32, #tpu.memory_space<vmem>>, vector<1x16xi32>,
    %swap3A_117 = arith.constant 1 : i32
    %swap3A_118 = arith.index_cast %swap3A_117 : i32 to index
    %swap3A_119 = arith.constant 0 : index
    %swap3A_120 = tpu.vector_load %arg6[%swap3A_118, %swap3A_119] {strides = array<i32>} : memref<4x16xi32, #tpu.memory_space<vmem>>, vector<1x16xi32>,
    %swap3A_121 = vector.shape_cast %swap3A_120 : vector<1x16xi32> to vector<16xi32>
    %swap3A_122 = vector.shape_cast %broadcast_in_dim3A_3 : vector<16xi32> to vector<1x16xi32>
    tpu.vector_store %arg6[%swap3A_118, %swap3A_119], %swap3A_122 {strides = array<i32>} : memref<4x16xi32, #tpu.memory_space<vmem>>, vector<1x16xi32>,
    %swap3A_123 = arith.constant 0 : i32
    %swap3A_124 = arith.index_cast %swap3A_123 : i32 to index
    %swap3A_125 = arith.constant 160 : index
    %swap3A_126 = tpu.vector_load %arg7[%swap3A_124, %swap3A_125] {strides = array<i32>} : memref<1x256xi32, #tpu.memory_space<vmem>>, vector<1x16xi32>,
    %swap3A_127 = vector.shape_cast %swap3A_126 : vector<1x16xi32> to vector<16xi32>
    %swap3A_128 = vector.shape_cast %broadcast_in_dim3A_3 : vector<16xi32> to vector<1x16xi32>
    tpu.vector_store %arg7[%swap3A_124, %swap3A_125], %swap3A_128 {strides = array<i32>} : memref<1x256xi32, #tpu.memory_space<vmem>>, vector<1x16xi32>,
    %swap3A_129 = arith.constant 2 : i32
    %swap3A_130 = arith.index_cast %swap3A_129 : i32 to index
    %swap3A_131 = arith.constant 0 : index
    %swap3A_132 = tpu.vector_load %arg6[%swap3A_130, %swap3A_131] {strides = array<i32>} : memref<4x16xi32, #tpu.memory_space<vmem>>, vector<1x16xi32>,
    %swap3A_133 = vector.shape_cast %swap3A_132 : vector<1x16xi32> to vector<16xi32>
    %swap3A_134 = vector.shape_cast %broadcast_in_dim3A_3 : vector<16xi32> to vector<1x16xi32>
    tpu.vector_store %arg6[%swap3A_130, %swap3A_131], %swap3A_134 {strides = array<i32>} : memref<4x16xi32, #tpu.memory_space<vmem>>, vector<1x16xi32>,
    %swap3A_135 = arith.constant 0 : i32
    %swap3A_136 = arith.index_cast %swap3A_135 : i32 to index
    %swap3A_137 = arith.constant 176 : index
    %swap3A_138 = tpu.vector_load %arg7[%swap3A_136, %swap3A_137] {strides = array<i32>} : memref<1x256xi32, #tpu.memory_space<vmem>>, vector<1x16xi32>,
    %swap3A_139 = vector.shape_cast %swap3A_138 : vector<1x16xi32> to vector<16xi32>
    %swap3A_140 = vector.shape_cast %broadcast_in_dim3A_3 : vector<16xi32> to vector<1x16xi32>
    tpu.vector_store %arg7[%swap3A_136, %swap3A_137], %swap3A_140 {strides = array<i32>} : memref<1x256xi32, #tpu.memory_space<vmem>>, vector<1x16xi32>,
    %swap3A_141 = arith.constant 3 : i32
    %swap3A_142 = arith.index_cast %swap3A_141 : i32 to index
    %swap3A_143 = arith.constant 0 : index
    %swap3A_144 = tpu.vector_load %arg6[%swap3A_142, %swap3A_143] {strides = array<i32>} : memref<4x16xi32, #tpu.memory_space<vmem>>, vector<1x16xi32>,
    %swap3A_145 = vector.shape_cast %swap3A_144 : vector<1x16xi32> to vector<16xi32>
    %swap3A_146 = vector.shape_cast %broadcast_in_dim3A_3 : vector<16xi32> to vector<1x16xi32>
    tpu.vector_store %arg6[%swap3A_142, %swap3A_143], %swap3A_146 {strides = array<i32>} : memref<4x16xi32, #tpu.memory_space<vmem>>, vector<1x16xi32>,
    %swap3A_147 = arith.constant 0 : i32
    %swap3A_148 = arith.index_cast %swap3A_147 : i32 to index
    %swap3A_149 = arith.constant 192 : index
    %swap3A_150 = tpu.vector_load %arg7[%swap3A_148, %swap3A_149] {strides = array<i32>} : memref<1x256xi32, #tpu.memory_space<vmem>>, vector<1x16xi32>,
    %swap3A_151 = vector.shape_cast %swap3A_150 : vector<1x16xi32> to vector<16xi32>
    %swap3A_152 = vector.shape_cast %broadcast_in_dim3A_3 : vector<16xi32> to vector<1x16xi32>
    tpu.vector_store %arg7[%swap3A_148, %swap3A_149], %swap3A_152 {strides = array<i32>} : memref<1x256xi32, #tpu.memory_space<vmem>>, vector<1x16xi32>,
    %swap3A_153 = arith.constant 0 : i32
    %swap3A_154 = arith.index_cast %swap3A_153 : i32 to index
    %swap3A_155 = arith.constant 0 : index
    %swap3A_156 = tpu.vector_load %arg6[%swap3A_154, %swap3A_155] {strides = array<i32>} : memref<4x16xi32, #tpu.memory_space<vmem>>, vector<1x16xi32>,
    %swap3A_157 = vector.shape_cast %swap3A_156 : vector<1x16xi32> to vector<16xi32>
    %swap3A_158 = vector.shape_cast %broadcast_in_dim3A_3 : vector<16xi32> to vector<1x16xi32>
    tpu.vector_store %arg6[%swap3A_154, %swap3A_155], %swap3A_158 {strides = array<i32>} : memref<4x16xi32, #tpu.memory_space<vmem>>, vector<1x16xi32>,
    %swap3A_159 = arith.constant 0 : i32
    %swap3A_160 = arith.index_cast %swap3A_159 : i32 to index
    %swap3A_161 = arith.constant 208 : index
    %swap3A_162 = tpu.vector_load %arg7[%swap3A_160, %swap3A_161] {strides = array<i32>} : memref<1x256xi32, #tpu.memory_space<vmem>>, vector<1x16xi32>,
    %swap3A_163 = vector.shape_cast %swap3A_162 : vector<1x16xi32> to vector<16xi32>
    %swap3A_164 = vector.shape_cast %broadcast_in_dim3A_3 : vector<16xi32> to vector<1x16xi32>
    tpu.vector_store %arg7[%swap3A_160, %swap3A_161], %swap3A_164 {strides = array<i32>} : memref<1x256xi32, #tpu.memory_space<vmem>>, vector<1x16xi32>,
    %swap3A_165 = arith.constant 1 : i32
    %swap3A_166 = arith.index_cast %swap3A_165 : i32 to index
    %swap3A_167 = arith.constant 0 : index
    %swap3A_168 = tpu.vector_load %arg6[%swap3A_166, %swap3A_167] {strides = array<i32>} : memref<4x16xi32, #tpu.memory_space<vmem>>, vector<1x16xi32>,
    %swap3A_169 = vector.shape_cast %swap3A_168 : vector<1x16xi32> to vector<16xi32>
    %swap3A_170 = vector.shape_cast %broadcast_in_dim3A_3 : vector<16xi32> to vector<1x16xi32>
    tpu.vector_store %arg6[%swap3A_166, %swap3A_167], %swap3A_170 {strides = array<i32>} : memref<4x16xi32, #tpu.memory_space<vmem>>, vector<1x16xi32>,
    %swap3A_171 = arith.constant 0 : i32
    %swap3A_172 = arith.index_cast %swap3A_171 : i32 to index
    %swap3A_173 = arith.constant 224 : index
    %swap3A_174 = tpu.vector_load %arg7[%swap3A_172, %swap3A_173] {strides = array<i32>} : memref<1x256xi32, #tpu.memory_space<vmem>>, vector<1x16xi32>,
    %swap3A_175 = vector.shape_cast %swap3A_174 : vector<1x16xi32> to vector<16xi32>
    %swap3A_176 = vector.shape_cast %broadcast_in_dim3A_3 : vector<16xi32> to vector<1x16xi32>
    tpu.vector_store %arg7[%swap3A_172, %swap3A_173], %swap3A_176 {strides = array<i32>} : memref<1x256xi32, #tpu.memory_space<vmem>>, vector<1x16xi32>,
    %swap3A_177 = arith.constant 2 : i32
    %swap3A_178 = arith.index_cast %swap3A_177 : i32 to index
    %swap3A_179 = arith.constant 0 : index
    %swap3A_180 = tpu.vector_load %arg6[%swap3A_178, %swap3A_179] {strides = array<i32>} : memref<4x16xi32, #tpu.memory_space<vmem>>, vector<1x16xi32>,
    %swap3A_181 = vector.shape_cast %swap3A_180 : vector<1x16xi32> to vector<16xi32>
    %swap3A_182 = vector.shape_cast %broadcast_in_dim3A_3 : vector<16xi32> to vector<1x16xi32>
    tpu.vector_store %arg6[%swap3A_178, %swap3A_179], %swap3A_182 {strides = array<i32>} : memref<4x16xi32, #tpu.memory_space<vmem>>, vector<1x16xi32>,
    %swap3A_183 = arith.constant 0 : i32
    %swap3A_184 = arith.index_cast %swap3A_183 : i32 to index
    %swap3A_185 = arith.constant 240 : index
    %swap3A_186 = tpu.vector_load %arg7[%swap3A_184, %swap3A_185] {strides = array<i32>} : memref<1x256xi32, #tpu.memory_space<vmem>>, vector<1x16xi32>,
    %swap3A_187 = vector.shape_cast %swap3A_186 : vector<1x16xi32> to vector<16xi32>
    %swap3A_188 = vector.shape_cast %broadcast_in_dim3A_3 : vector<16xi32> to vector<1x16xi32>
    tpu.vector_store %arg7[%swap3A_184, %swap3A_185], %swap3A_188 {strides = array<i32>} : memref<1x256xi32, #tpu.memory_space<vmem>>, vector<1x16xi32>,
    %swap3A_189 = arith.constant 3 : i32
    %swap3A_190 = arith.index_cast %swap3A_189 : i32 to index
    %swap3A_191 = arith.constant 0 : index
    %swap3A_192 = tpu.vector_load %arg6[%swap3A_190, %swap3A_191] {strides = array<i32>} : memref<4x16xi32, #tpu.memory_space<vmem>>, vector<1x16xi32>,
    %swap3A_193 = vector.shape_cast %swap3A_192 : vector<1x16xi32> to vector<16xi32>
    %swap3A_194 = vector.shape_cast %broadcast_in_dim3A_3 : vector<16xi32> to vector<1x16xi32>
    tpu.vector_store %arg6[%swap3A_190, %swap3A_191], %swap3A_194 {strides = array<i32>} : memref<4x16xi32, #tpu.memory_space<vmem>>, vector<1x16xi32>,
    %mul3A_195 = arith.constant 4 : i32
    %mul3A_196 = arith.muli %add3A, %mul3A_195 : i32
    "tpu.region"() ({
      %run_scoped3A = tpu.sem_alloc : memref<!tpu.dma_semaphore, #tpu.memory_space<semaphore_mem>>
      %dma_start3A = arith.constant 0 : i32
      %dma_start3A_197 = tpu.memref_slice %arg3[%mul3A_196, %dma_start3A] : memref<128x16xi32, #tpu.memory_space<hbm>> -> memref<4x16xi32, #tpu.memory_space<hbm>>
      %dma_start3A_198 = arith.constant 0 : i32
      %dma_start3A_199 = tpu.memref_slice %arg3[%mul3A_196, %dma_start3A_198] : memref<128x16xi32, #tpu.memory_space<hbm>> -> memref<4x16xi32, #tpu.memory_space<hbm>>
      tpu.enqueue_dma source(%arg6 : memref<4x16xi32, #tpu.memory_space<vmem>>) target(%dma_start3A_199 : memref<4x16xi32, #tpu.memory_space<hbm>>) target_semaphore(%run_scoped3A : memref<!tpu.dma_semaphore, #tpu.memory_space<semaphore_mem>>)
      %dma_wait3A = arith.constant 0 : i32
      %dma_wait3A_200 = tpu.memref_slice %arg3[%mul3A_196, %dma_wait3A] : memref<128x16xi32, #tpu.memory_space<hbm>> -> memref<4x16xi32, #tpu.memory_space<hbm>>
      %dma_wait3A_201 = arith.constant 0 : i32
      %dma_wait3A_202 = tpu.memref_slice %arg3[%mul3A_196, %dma_wait3A_201] : memref<128x16xi32, #tpu.memory_space<hbm>> -> memref<4x16xi32, #tpu.memory_space<hbm>>
      tpu.wait_dma2 semaphore(%run_scoped3A : memref<!tpu.dma_semaphore, #tpu.memory_space<semaphore_mem>>) src(%arg6 : memref<4x16xi32, #tpu.memory_space<vmem>>) dst(%dma_wait3A_202 : memref<4x16xi32, #tpu.memory_space<hbm>>)
      tpu.yield
    }) : () -> ()
    "tpu.region"() ({
      %run_scoped3A = tpu.sem_alloc : memref<!tpu.dma_semaphore, #tpu.memory_space<semaphore_mem>>
      %dma_start3A = arith.constant 0 : i32
      %dma_start3A_197 = tpu.memref_slice %arg4[%add3A, %dma_start3A] : memref<32x256xi32, #tpu.memory_space<hbm>> -> memref<1x256xi32, #tpu.memory_space<hbm>>
      %dma_start3A_198 = arith.constant 0 : i32
      %dma_start3A_199 = tpu.memref_slice %arg4[%add3A, %dma_start3A_198] : memref<32x256xi32, #tpu.memory_space<hbm>> -> memref<1x256xi32, #tpu.memory_space<hbm>>
      tpu.enqueue_dma source(%arg7 : memref<1x256xi32, #tpu.memory_space<vmem>>) target(%dma_start3A_199 : memref<1x256xi32, #tpu.memory_space<hbm>>) target_semaphore(%run_scoped3A : memref<!tpu.dma_semaphore, #tpu.memory_space<semaphore_mem>>)
      %dma_wait3A = arith.constant 0 : i32
      %dma_wait3A_200 = tpu.memref_slice %arg4[%add3A, %dma_wait3A] : memref<32x256xi32, #tpu.memory_space<hbm>> -> memref<1x256xi32, #tpu.memory_space<hbm>>
      %dma_wait3A_201 = arith.constant 0 : i32
      %dma_wait3A_202 = tpu.memref_slice %arg4[%add3A, %dma_wait3A_201] : memref<32x256xi32, #tpu.memory_space<hbm>> -> memref<1x256xi32, #tpu.memory_space<hbm>>
      tpu.wait_dma2 semaphore(%run_scoped3A : memref<!tpu.dma_semaphore, #tpu.memory_space<semaphore_mem>>) src(%arg7 : memref<1x256xi32, #tpu.memory_space<vmem>>) dst(%dma_wait3A_202 : memref<1x256xi32, #tpu.memory_space<hbm>>)
      tpu.yield
    }) : () -> ()
    return
  }
}

module attributes {stable_mosaic.version = 14 : i64} {
  func.func @_tc_embed_kernel(%arg0: i32, %arg1: memref<1x1x256xi32, #tpu.memory_space<vmem>>, %arg2: memref<1x4x256xi32, #tpu.memory_space<vmem>>, %arg3: memref<2x128xf32, #tpu.memory_space<vmem>>, %arg4: memref<1x256xf32, #tpu.memory_space<vmem>>, %arg5: memref<1x256xf32, #tpu.memory_space<vmem>>, %arg6: memref<16x512xf32, #tpu.memory_space<vmem>>) attributes {dimension_semantics = [#tpu.dimension_semantics<arbitrary>], iteration_bounds = array<i64: 8>, scalar_prefetch = 0 : i64, scratch_operands = 0 : i64, tpu.core_type = #tpu.core_type<tc>, window_params = [{transform_indices = @transform_0, window_bounds = array<i64: 1, 1, 256>}, {transform_indices = @transform_1, window_bounds = array<i64: 1, 4, 256>}, {pipeline_mode = #tpu.pipeline_mode<synchronous>, transform_indices = @transform_2, window_bounds = array<i64: 2, 128>}, {pipeline_mode = #tpu.pipeline_mode<synchronous>, transform_indices = @transform_3, window_bounds = array<i64: 1, 256>}, {pipeline_mode = #tpu.pipeline_mode<synchronous>, transform_indices = @transform_4, window_bounds = array<i64: 1, 256>}, {transform_indices = @transform_5, window_bounds = array<i64: 16, 512>}]} {
    %get3A = arith.constant 0 : index
    %get3A_0 = arith.constant 0 : index
    %get3A_1 = arith.constant 0 : index
    %get3A_2 = vector.load %arg1[%get3A, %get3A_0, %get3A_1] : memref<1x1x256xi32, #tpu.memory_space<vmem>>, vector<1x1x256xi32>
    %get3A_3 = vector.shape_cast %get3A_2 : vector<1x1x256xi32> to vector<1x256xi32>
    %get3A_4 = arith.constant 0 : index
    %get3A_5 = arith.constant 0 : index
    %get3A_6 = arith.constant 0 : index
    %get3A_7 = vector.load %arg2[%get3A_4, %get3A_5, %get3A_6] : memref<1x4x256xi32, #tpu.memory_space<vmem>>, vector<1x4x256xi32>
    %get3A_8 = vector.shape_cast %get3A_7 : vector<1x4x256xi32> to vector<4x256xi32>
    %slice3A = vector.extract_strided_slice %get3A_8 {offsets = [0, 0], sizes = [1, 256], strides = [1, 1]} : vector<4x256xi32> to vector<1x256xi32>
    %slice3A_9 = vector.extract_strided_slice %get3A_8 {offsets = [1, 0], sizes = [1, 256], strides = [1, 1]} : vector<4x256xi32> to vector<1x256xi32>
    %or3A = arith.ori %slice3A, %slice3A_9 : vector<1x256xi32>
    %slice3A_10 = vector.extract_strided_slice %get3A_8 {offsets = [2, 0], sizes = [1, 256], strides = [1, 1]} : vector<4x256xi32> to vector<1x256xi32>
    %slice3A_11 = vector.extract_strided_slice %get3A_8 {offsets = [3, 0], sizes = [1, 256], strides = [1, 1]} : vector<4x256xi32> to vector<1x256xi32>
    %or3A_12 = arith.ori %slice3A_10, %slice3A_11 : vector<1x256xi32>
    %or3A_13 = arith.ori %or3A, %or3A_12 : vector<1x256xi32>
    %iota3A = tpu.iota {dimensions = array<i32: 0>} : vector<16x1xi32>
    %add3A = arith.constant 1 : i32
    %add3A_14 = vector.broadcast %add3A : i32 to vector<16x1xi32>
    %add3A_15 = arith.addi %iota3A, %add3A_14 : vector<16x1xi32>
    %shift_right_arithmetic3A = vector.broadcast %or3A_13 : vector<1x256xi32> to vector<16x256xi32>
    %shift_right_arithmetic3A_16 = vector.broadcast %add3A_15 : vector<16x1xi32> to vector<16x256xi32>
    %shift_right_arithmetic3A_17 = arith.shrsi %shift_right_arithmetic3A, %shift_right_arithmetic3A_16 : vector<16x256xi32>
    %and3A = arith.constant 1 : i32
    %and3A_18 = vector.broadcast %and3A : i32 to vector<16x256xi32>
    %and3A_19 = arith.andi %shift_right_arithmetic3A_17, %and3A_18 : vector<16x256xi32>
    %iota3A_20 = tpu.iota {dimensions = array<i32: 1>} : vector<16x256xi32>
    %eq3A = arith.constant 1 : i32
    %eq3A_21 = vector.broadcast %eq3A : i32 to vector<16x256xi32>
    %eq3A_22 = arith.cmpi eq, %and3A_19, %eq3A_21 : vector<16x256xi32>
    %jit3A = arith.constant 256 : i32
    %broadcast_in_dim3A = vector.broadcast %jit3A : i32 to vector<16x256xi32>
    %select_n3A = arith.select %eq3A_22, %iota3A_20, %broadcast_in_dim3A : vector<16x256xi1>, vector<16x256xi32>
    %reduce_min3A = arith.constant dense<2147483647> : vector<16xi32>
    %reduce_min3A_23 = vector.multi_reduction <minsi>, %select_n3A, %reduce_min3A [1] : vector<16x256xi32> to vector<16xi32>
    %broadcast_in_dim3A_24 = vector.shape_cast %reduce_min3A_23 : vector<16xi32> to vector<16x1xi32>
    %eq3A_25 = arith.constant 1 : i32
    %eq3A_26 = vector.broadcast %eq3A_25 : i32 to vector<16x256xi32>
    %eq3A_27 = arith.cmpi eq, %and3A_19, %eq3A_26 : vector<16x256xi32>
    %jit3A_28 = arith.constant -1 : i32
    %broadcast_in_dim3A_29 = vector.broadcast %jit3A_28 : i32 to vector<16x256xi32>
    %select_n3A_30 = arith.select %eq3A_27, %iota3A_20, %broadcast_in_dim3A_29 : vector<16x256xi1>, vector<16x256xi32>
    %reduce_max3A = arith.constant dense<-2147483648> : vector<16xi32>
    %reduce_max3A_31 = vector.multi_reduction <maxsi>, %select_n3A_30, %reduce_max3A [1] : vector<16x256xi32> to vector<16xi32>
    %broadcast_in_dim3A_32 = vector.shape_cast %reduce_max3A_31 : vector<16xi32> to vector<16x1xi32>
    %shift_right_arithmetic3A_33 = vector.broadcast %get3A_3 : vector<1x256xi32> to vector<16x256xi32>
    %shift_right_arithmetic3A_34 = vector.broadcast %add3A_15 : vector<16x1xi32> to vector<16x256xi32>
    %shift_right_arithmetic3A_35 = arith.shrsi %shift_right_arithmetic3A_33, %shift_right_arithmetic3A_34 : vector<16x256xi32>
    %and3A_36 = arith.constant 1 : i32
    %and3A_37 = vector.broadcast %and3A_36 : i32 to vector<16x256xi32>
    %and3A_38 = arith.andi %shift_right_arithmetic3A_35, %and3A_37 : vector<16x256xi32>
    %iota3A_39 = tpu.iota {dimensions = array<i32: 1>} : vector<16x256xi32>
    %eq3A_40 = arith.constant 1 : i32
    %eq3A_41 = vector.broadcast %eq3A_40 : i32 to vector<16x256xi32>
    %eq3A_42 = arith.cmpi eq, %and3A_38, %eq3A_41 : vector<16x256xi32>
    %jit3A_43 = arith.constant 256 : i32
    %broadcast_in_dim3A_44 = vector.broadcast %jit3A_43 : i32 to vector<16x256xi32>
    %select_n3A_45 = arith.select %eq3A_42, %iota3A_39, %broadcast_in_dim3A_44 : vector<16x256xi1>, vector<16x256xi32>
    %reduce_min3A_46 = arith.constant dense<2147483647> : vector<16xi32>
    %reduce_min3A_47 = vector.multi_reduction <minsi>, %select_n3A_45, %reduce_min3A_46 [1] : vector<16x256xi32> to vector<16xi32>
    %broadcast_in_dim3A_48 = vector.shape_cast %reduce_min3A_47 : vector<16xi32> to vector<16x1xi32>
    %eq3A_49 = arith.constant 1 : i32
    %eq3A_50 = vector.broadcast %eq3A_49 : i32 to vector<16x256xi32>
    %eq3A_51 = arith.cmpi eq, %and3A_38, %eq3A_50 : vector<16x256xi32>
    %jit3A_52 = arith.constant -1 : i32
    %broadcast_in_dim3A_53 = vector.broadcast %jit3A_52 : i32 to vector<16x256xi32>
    %select_n3A_54 = arith.select %eq3A_51, %iota3A_39, %broadcast_in_dim3A_53 : vector<16x256xi1>, vector<16x256xi32>
    %reduce_max3A_55 = arith.constant dense<-2147483648> : vector<16xi32>
    %reduce_max3A_56 = vector.multi_reduction <maxsi>, %select_n3A_54, %reduce_max3A_55 [1] : vector<16x256xi32> to vector<16xi32>
    %broadcast_in_dim3A_57 = vector.shape_cast %reduce_max3A_56 : vector<16xi32> to vector<16x1xi32>
    %convert_element_type3A = arith.sitofp %broadcast_in_dim3A_24 : vector<16x1xi32> to vector<16x1xf32>
    %add3A_58 = arith.constant 5.000000e-01 : f32
    %add3A_59 = vector.broadcast %add3A_58 : f32 to vector<16x1xf32>
    %add3A_60 = arith.addf %convert_element_type3A, %add3A_59 : vector<16x1xf32>
    %div3A = arith.constant 2.560000e+02 : f32
    %div3A_61 = vector.broadcast %div3A : f32 to vector<16x1xf32>
    %div3A_62 = arith.divf %add3A_60, %div3A_61 : vector<16x1xf32>
    %mul3A = arith.constant 2.000000e+00 : f32
    %mul3A_63 = vector.broadcast %mul3A : f32 to vector<16x1xf32>
    %mul3A_64 = arith.mulf %div3A_62, %mul3A_63 : vector<16x1xf32>
    %sub3A = arith.constant 1.000000e+00 : f32
    %sub3A_65 = vector.broadcast %sub3A : f32 to vector<16x1xf32>
    %sub3A_66 = arith.subf %mul3A_64, %sub3A_65 : vector<16x1xf32>
    %convert_element_type3A_67 = arith.sitofp %broadcast_in_dim3A_48 : vector<16x1xi32> to vector<16x1xf32>
    %add3A_68 = arith.constant 5.000000e-01 : f32
    %add3A_69 = vector.broadcast %add3A_68 : f32 to vector<16x1xf32>
    %add3A_70 = arith.addf %convert_element_type3A_67, %add3A_69 : vector<16x1xf32>
    %div3A_71 = arith.constant 2.560000e+02 : f32
    %div3A_72 = vector.broadcast %div3A_71 : f32 to vector<16x1xf32>
    %div3A_73 = arith.divf %add3A_70, %div3A_72 : vector<16x1xf32>
    %mul3A_74 = arith.constant 2.000000e+00 : f32
    %mul3A_75 = vector.broadcast %mul3A_74 : f32 to vector<16x1xf32>
    %mul3A_76 = arith.mulf %div3A_73, %mul3A_75 : vector<16x1xf32>
    %sub3A_77 = arith.constant 1.000000e+00 : f32
    %sub3A_78 = vector.broadcast %sub3A_77 : f32 to vector<16x1xf32>
    %sub3A_79 = arith.subf %mul3A_76, %sub3A_78 : vector<16x1xf32>
    %convert_element_type3A_80 = arith.sitofp %broadcast_in_dim3A_32 : vector<16x1xi32> to vector<16x1xf32>
    %add3A_81 = arith.constant 5.000000e-01 : f32
    %add3A_82 = vector.broadcast %add3A_81 : f32 to vector<16x1xf32>
    %add3A_83 = arith.addf %convert_element_type3A_80, %add3A_82 : vector<16x1xf32>
    %div3A_84 = arith.constant 2.560000e+02 : f32
    %div3A_85 = vector.broadcast %div3A_84 : f32 to vector<16x1xf32>
    %div3A_86 = arith.divf %add3A_83, %div3A_85 : vector<16x1xf32>
    %mul3A_87 = arith.constant 2.000000e+00 : f32
    %mul3A_88 = vector.broadcast %mul3A_87 : f32 to vector<16x1xf32>
    %mul3A_89 = arith.mulf %div3A_86, %mul3A_88 : vector<16x1xf32>
    %sub3A_90 = arith.constant 1.000000e+00 : f32
    %sub3A_91 = vector.broadcast %sub3A_90 : f32 to vector<16x1xf32>
    %sub3A_92 = arith.subf %mul3A_89, %sub3A_91 : vector<16x1xf32>
    %convert_element_type3A_93 = arith.sitofp %broadcast_in_dim3A_57 : vector<16x1xi32> to vector<16x1xf32>
    %add3A_94 = arith.constant 5.000000e-01 : f32
    %add3A_95 = vector.broadcast %add3A_94 : f32 to vector<16x1xf32>
    %add3A_96 = arith.addf %convert_element_type3A_93, %add3A_95 : vector<16x1xf32>
    %div3A_97 = arith.constant 2.560000e+02 : f32
    %div3A_98 = vector.broadcast %div3A_97 : f32 to vector<16x1xf32>
    %div3A_99 = arith.divf %add3A_96, %div3A_98 : vector<16x1xf32>
    %mul3A_100 = arith.constant 2.000000e+00 : f32
    %mul3A_101 = vector.broadcast %mul3A_100 : f32 to vector<16x1xf32>
    %mul3A_102 = arith.mulf %div3A_99, %mul3A_101 : vector<16x1xf32>
    %sub3A_103 = arith.constant 1.000000e+00 : f32
    %sub3A_104 = vector.broadcast %sub3A_103 : f32 to vector<16x1xf32>
    %sub3A_105 = arith.subf %mul3A_102, %sub3A_104 : vector<16x1xf32>
    %get3A_106 = arith.constant 0 : index
    %get3A_107 = arith.constant 0 : index
    %get3A_108 = vector.load %arg3[%get3A_106, %get3A_107] : memref<2x128xf32, #tpu.memory_space<vmem>>, vector<2x128xf32>
    %slice3A_109 = vector.extract_strided_slice %get3A_108 {offsets = [0, 0], sizes = [1, 128], strides = [1, 1]} : vector<2x128xf32> to vector<1x128xf32>
    %convert_element_type3A_110 = arith.truncf %slice3A_109 : vector<1x128xf32> to vector<1x128xbf16>
    %convert_element_type3A_111 = arith.extf %convert_element_type3A_110 : vector<1x128xbf16> to vector<1x128xf32>
    %slice3A_112 = vector.extract_strided_slice %get3A_108 {offsets = [1, 0], sizes = [1, 128], strides = [1, 1]} : vector<2x128xf32> to vector<1x128xf32>
    %convert_element_type3A_113 = arith.truncf %slice3A_112 : vector<1x128xf32> to vector<1x128xbf16>
    %convert_element_type3A_114 = arith.extf %convert_element_type3A_113 : vector<1x128xbf16> to vector<1x128xf32>
    %convert_element_type3A_115 = arith.truncf %sub3A_66 : vector<16x1xf32> to vector<16x1xbf16>
    %convert_element_type3A_116 = arith.extf %convert_element_type3A_115 : vector<16x1xbf16> to vector<16x1xf32>
    %convert_element_type3A_117 = arith.truncf %sub3A_79 : vector<16x1xf32> to vector<16x1xbf16>
    %convert_element_type3A_118 = arith.extf %convert_element_type3A_117 : vector<16x1xbf16> to vector<16x1xf32>
    %convert_element_type3A_119 = arith.truncf %sub3A_92 : vector<16x1xf32> to vector<16x1xbf16>
    %convert_element_type3A_120 = arith.extf %convert_element_type3A_119 : vector<16x1xbf16> to vector<16x1xf32>
    %convert_element_type3A_121 = arith.truncf %sub3A_105 : vector<16x1xf32> to vector<16x1xbf16>
    %convert_element_type3A_122 = arith.extf %convert_element_type3A_121 : vector<16x1xbf16> to vector<16x1xf32>
    %mul3A_123 = vector.broadcast %convert_element_type3A_116 : vector<16x1xf32> to vector<16x128xf32>
    %mul3A_124 = vector.broadcast %convert_element_type3A_111 : vector<1x128xf32> to vector<16x128xf32>
    %mul3A_125 = arith.mulf %mul3A_123, %mul3A_124 : vector<16x128xf32>
    %mul3A_126 = vector.broadcast %convert_element_type3A_118 : vector<16x1xf32> to vector<16x128xf32>
    %mul3A_127 = vector.broadcast %convert_element_type3A_114 : vector<1x128xf32> to vector<16x128xf32>
    %mul3A_128 = arith.mulf %mul3A_126, %mul3A_127 : vector<16x128xf32>
    %add3A_129 = arith.addf %mul3A_125, %mul3A_128 : vector<16x128xf32>
    %mul3A_130 = arith.constant 6.28318548 : f32
    %mul3A_131 = vector.broadcast %mul3A_130 : f32 to vector<16x128xf32>
    %mul3A_132 = arith.mulf %mul3A_131, %add3A_129 : vector<16x128xf32>
    %mul3A_133 = vector.broadcast %convert_element_type3A_120 : vector<16x1xf32> to vector<16x128xf32>
    %mul3A_134 = vector.broadcast %convert_element_type3A_111 : vector<1x128xf32> to vector<16x128xf32>
    %mul3A_135 = arith.mulf %mul3A_133, %mul3A_134 : vector<16x128xf32>
    %mul3A_136 = vector.broadcast %convert_element_type3A_122 : vector<16x1xf32> to vector<16x128xf32>
    %mul3A_137 = vector.broadcast %convert_element_type3A_114 : vector<1x128xf32> to vector<16x128xf32>
    %mul3A_138 = arith.mulf %mul3A_136, %mul3A_137 : vector<16x128xf32>
    %add3A_139 = arith.addf %mul3A_135, %mul3A_138 : vector<16x128xf32>
    %mul3A_140 = arith.constant 6.28318548 : f32
    %mul3A_141 = vector.broadcast %mul3A_140 : f32 to vector<16x128xf32>
    %mul3A_142 = arith.mulf %mul3A_141, %add3A_139 : vector<16x128xf32>
    %sin3A = math.sin %mul3A_132 : vector<16x128xf32>
    %cos3A = math.cos %mul3A_132 : vector<16x128xf32>
    %concatenate3A = tpu.concatenate %sin3A, %cos3A in 1 : vector<16x128xf32>, vector<16x128xf32> -> vector<16x256xf32>
    %get3A_143 = arith.constant 0 : index
    %get3A_144 = arith.constant 0 : index
    %get3A_145 = vector.load %arg4[%get3A_143, %get3A_144] : memref<1x256xf32, #tpu.memory_space<vmem>>, vector<1x256xf32>
    %add3A_146 = vector.broadcast %get3A_145 : vector<1x256xf32> to vector<16x256xf32>
    %add3A_147 = arith.addf %concatenate3A, %add3A_146 : vector<16x256xf32>
    %sin3A_148 = math.sin %mul3A_142 : vector<16x128xf32>
    %cos3A_149 = math.cos %mul3A_142 : vector<16x128xf32>
    %concatenate3A_150 = tpu.concatenate %sin3A_148, %cos3A_149 in 1 : vector<16x128xf32>, vector<16x128xf32> -> vector<16x256xf32>
    %get3A_151 = arith.constant 0 : index
    %get3A_152 = arith.constant 0 : index
    %get3A_153 = vector.load %arg5[%get3A_151, %get3A_152] : memref<1x256xf32, #tpu.memory_space<vmem>>, vector<1x256xf32>
    %add3A_154 = vector.broadcast %get3A_153 : vector<1x256xf32> to vector<16x256xf32>
    %add3A_155 = arith.addf %concatenate3A_150, %add3A_154 : vector<16x256xf32>
    %concatenate3A_156 = tpu.concatenate %add3A_147, %add3A_155 in 1 : vector<16x256xf32>, vector<16x256xf32> -> vector<16x512xf32>
    %swap3A = arith.constant 0 : index
    %swap3A_157 = arith.constant 0 : index
    %swap3A_158 = vector.load %arg6[%swap3A, %swap3A_157] : memref<16x512xf32, #tpu.memory_space<vmem>>, vector<16x512xf32>
    tpu.vector_store %arg6[%swap3A, %swap3A_157], %concatenate3A_156 {strides = array<i32>} : memref<16x512xf32, #tpu.memory_space<vmem>>, vector<16x512xf32>,
    return
  }
  func.func @transform_0(%arg0: i32) -> (i32, i32, i32) {
    %c0_i32 = arith.constant 0 : i32
    %c0_i32_0 = arith.constant 0 : i32
    %c0_i32_1 = arith.constant 0 : i32
    return %arg0, %c0_i32, %c0_i32_0 : i32, i32, i32
  }
  func.func @transform_1(%arg0: i32) -> (i32, i32, i32) {
    %c0_i32 = arith.constant 0 : i32
    %c0_i32_0 = arith.constant 0 : i32
    %c0_i32_1 = arith.constant 0 : i32
    return %arg0, %c0_i32, %c0_i32_0 : i32, i32, i32
  }
  func.func @transform_2(%arg0: i32) -> (i32, i32) {
    %c0_i32 = arith.constant 0 : i32
    %c0_i32_0 = arith.constant 0 : i32
    %c0_i32_1 = arith.constant 0 : i32
    return %c0_i32, %c0_i32_0 : i32, i32
  }
  func.func @transform_3(%arg0: i32) -> (i32, i32) {
    %c0_i32 = arith.constant 0 : i32
    %c0_i32_0 = arith.constant 0 : i32
    %c0_i32_1 = arith.constant 0 : i32
    return %c0_i32, %c0_i32_0 : i32, i32
  }
  func.func @transform_4(%arg0: i32) -> (i32, i32) {
    %c0_i32 = arith.constant 0 : i32
    %c0_i32_0 = arith.constant 0 : i32
    %c0_i32_1 = arith.constant 0 : i32
    return %c0_i32, %c0_i32_0 : i32, i32
  }
  func.func @transform_5(%arg0: i32) -> (i32, i32) {
    %c0_i32 = arith.constant 0 : i32
    %c0_i32_0 = arith.constant 0 : i32
    return %arg0, %c0_i32 : i32, i32
  }
}

</mosaic_0001>

<sc_bundles>
// kernel: _run.4.cloned.1.call-start
scs
__scs_entry_jumppad:
0x0: {  	(pc) =	sbr.rel $0x88, $3  }
0x1: {  	(tag) =	ssettag $0x0;
	lr =	simm.s32 $0x1  }
0x2: {  	[smem:$0x3F9D] =	sst lr;
	_ =	strace $0xD0000000  }
0x3: {  	_ = 	snop  }
0x4: {  	_ = 	snop  }
0x5: {  	_ = 	snop  }
0x6: {  	_ = 	snop  }
0x7: {  	_ = 	snop  }
__scs_overlays_trampoline_lowered:
0x8: {  	[smem:$0x3FAC] =	sst s0  }
0x9: {  	[smem:$0x3FAD] =	sst s1  }
0xa: {  	[smem:$0x3FAE] =	sst s2  }
0xb: {  	[smem:$0x3FAF] =	sst s3  }
0xc: {  	[smem:$0x3FB0] =	sst s4  }
0xd: {  	[smem:$0x3FB1] =	sst s5  }
0xe: {  	[smem:$0x3FB2] =	sst s6  }
0xf: {  	[smem:$0x3FB3] =	sst s7  }
0x10: {  	[smem:$0x3FB4] =	sst s8  }
0x11: {  	[smem:$0x3FB5] =	sst s9;
	s0 =	simm.s32 @!p0 $0x0  }
0x12: {  	s1 =	sld [smem:$0x3F9B];
	s0 =	simm.s32 @p0 $0x1  }
0x13: {  	[smem:$0x3FB6] =	sst s0;
	s0 =	simm.s32 @!p1 $0x0  }
0x14: {  	s2 =	sld [smem:$0x3F9A];
	s0 =	simm.s32 @p1 $0x1  }
0x15: {  	[smem:$0x3FB7] =	sst s0;
	s0 =	simm.s32 @!p2 $0x0  }
0x16: {  	s3 =	sld [smem:$0x3FDB];
	s0 =	simm.s32 @p2 $0x1  }
0x17: {  	s4 =	simm.s32 $0x1BF5;
	[smem:$0x3FB9] =	sst s0  }
0x18: {  	s0 =	sld [smem:$0x3F9C];
	_ =	swait.ge [sflag:s4], $0x0  }
0x19: {  	s7 =	sld [smem:$0x3F9D]  }
0x1a: {  	s8 =	sadd.s32 $0xFFFFE003, lr  }
0x1b: {  	s9 =	sadd.s32 $0xFFFFFEF7, lr;
	s5 =	simm.s32 $0xFFFFFFFF;
	p2 =	slt.u32 s8, $0xFFFFF086  }
0x1c: {  	p1 =	slt.u32 s9, $0xF7A;
	s5 =	simm.s32 @!p2 $0x0  }
0x1d: {  	s5 =	simm.s32 @p1 $0x1;
	p0 =	seq.s32 s7, s2  }
0x1e: {  	s7 =	smul.u32 @!p0 $0xF7A, s2;
	p2 =	seq.s32 @!p0 s5, $0x0  }
0x1f: {  	s9 =	smul.u32 $0xF7A, s1;
	s8 =	simm.s32 @!p0 $0x1BF5;
	p2 =	por !p2, p0  }
0x20: {  	[sflag:s8] =	ssyncset.s32 @!p0 $0xFFFFF086;
	s6 =	sadd.s32 @!p0 s3, s7;
	s7 =	simm.s32 @!p0 $0x108  }
0x21: {  	s3 =	sadd.s32 s3, s9;
	s6 =	sadd.s32 @!p0 $0x88, s6;
	s7 =	simm.s32 @p2 $0x1082  }
0x22: {  	[simem:s7], [sflag:s8] =	dma.local @!p0 [hbm:s6], $0xF7A  }
0x23: {  	s9 =	sor.u32 $0xD0000000, s2;
	s6 =	simm.s32 $0x108;
	_ =	swait.ge @!p0 [sflag:s8], $0x0  }
0x24: {  	s3 =	sadd.s32 $0x88, s3;
	s6 =	simm.s32 @!p1 $0x1082;
	[sflag:s4] =	ssyncset.s32 $0xFFFFF086  }
0x25: {  	[simem:s6], [sflag:s4] =	dma.local [hbm:s3], $0xF7A  }
0x26: {  	[smem:$0x3F9D] =	sst s1;
	(tag) =	ssettag s2;
	_ =	strace s9  }
0x27: {  	s1 =	sld [smem:$0x3FAD]  }
0x28: {  	s2 =	sld [smem:$0x3FAE]  }
0x29: {  	s4 =	sld [smem:$0x3FB0]  }
0x2a: {  	p0 =	seq.s32 s5, $0x0;
	s5 =	sld [smem:$0x3FB1]  }
0x2b: {  	s6 =	sld [smem:$0x3FB2]  }
0x2c: {  	s7 =	sld [smem:$0x3FB3]  }
0x2d: {  	s3 =	simm.s32 $0x108;
	s8 =	sld [smem:$0x3FB4]  }
0x2e: {  	s3 =	simm.s32 @!p0 $0x1082;
	s9 =	sld [smem:$0x3FB5]  }
0x2f: {  	lr =	sadd.s32 s0, s3;
	s0 =	sld [smem:$0x3FAC]  }
0x30: {  	s3 =	sld [smem:$0x3FAF]  }
0x31: {  	[smem:$0x3FB8] =	sst s10  }
0x32: {  	s10 =	sld [smem:$0x3FB6];
	_ =	sdelay $0x3  }
0x33: {  	p0 =	seq.s32 s10, $0x1;
	s10 =	sld [smem:$0x3FB8];
	_ =	sdelay $0x3  }
0x34: {  	[smem:$0x3FB8] =	sst s10  }
0x35: {  	s10 =	sld [smem:$0x3FB7];
	_ =	sdelay $0x3  }
0x36: {  	p1 =	seq.s32 s10, $0x1;
	s10 =	sld [smem:$0x3FB8];
	_ =	sdelay $0x3  }
0x37: {  	[smem:$0x3FB8] =	sst s10  }
0x38: {  	s10 =	sld [smem:$0x3FB9]  }
0x39: {  	_ = 	snop;
	(pc) =	sbr.ind lr, $3  }
0x3a: {  	_ = 	snop  }
0x3b: {  	_ = 	snop  }
0x3c: {  	p2 =	seq.s32 s10, $0x1;
	s10 =	sld [smem:$0x3FB8]  }
0x3d: {  	_ =	shalt  }
0x3e: {  	_ =	shalt  }
0x3f: {  	_ =	shalt  }
0x40: {  	_ =	shalt  }
0x41: {  	_ =	shalt  }
0x42: {  	_ =	shalt  }
0x43: {  	_ =	shalt  }
0x44: {  	_ =	shalt  }
0x45: {  	_ =	shalt  }
0x46: {  	_ =	shalt  }
0x47: {  	_ =	shalt  }
0x48: {  	_ =	shalt  }
0x49: {  	_ =	shalt  }
0x4a: {  	_ =	shalt  }
0x4b: {  	_ =	shalt  }
0x4c: {  	_ =	shalt  }
0x4d: {  	_ =	shalt  }
0x4e: {  	_ =	shalt  }
0x4f: {  	_ =	shalt  }
0x50: {  	_ =	shalt  }
0x51: {  	_ =	shalt  }
0x52: {  	_ =	shalt  }
0x53: {  	_ =	shalt  }
0x54: {  	_ =	shalt  }
0x55: {  	_ =	shalt  }
0x56: {  	_ =	shalt  }
0x57: {  	_ =	shalt  }
0x58: {  	_ =	shalt  }
0x59: {  	_ =	shalt  }
0x5a: {  	_ =	shalt  }
0x5b: {  	_ =	shalt  }
0x5c: {  	_ =	shalt  }
0x5d: {  	_ =	shalt  }
0x5e: {  	_ =	shalt  }
0x5f: {  	_ =	shalt  }
0x60: {  	_ =	shalt  }
0x61: {  	_ =	shalt  }
0x62: {  	_ =	shalt  }
0x63: {  	_ =	shalt  }
0x64: {  	_ =	shalt  }
0x65: {  	_ =	shalt  }
0x66: {  	_ =	shalt  }
0x67: {  	_ =	shalt  }
0x68: {  	_ =	shalt  }
0x69: {  	_ =	shalt  }
0x6a: {  	_ =	shalt  }
0x6b: {  	_ =	shalt  }
0x6c: {  	_ =	shalt  }
0x6d: {  	_ =	shalt  }
0x6e: {  	_ =	shalt  }
0x6f: {  	_ =	shalt  }
0x70: {  	_ =	shalt  }
0x71: {  	_ =	shalt  }
0x72: {  	_ =	shalt  }
0x73: {  	_ =	shalt  }
0x74: {  	_ =	shalt  }
0x75: {  	_ =	shalt  }
0x76: {  	_ =	shalt  }
0x77: {  	_ =	shalt  }
0x78: {  	_ =	shalt  }
0x79: {  	_ =	shalt  }
0x7a: {  	_ =	shalt  }
0x7b: {  	_ =	shalt  }
0x7c: {  	_ =	shalt  }
0x7d: {  	_ =	shalt  }
0x7e: {  	_ =	shalt  }
0x7f: {  	_ =	shalt  }
0x80: {  	_ =	shalt  }
0x81: {  	_ =	shalt  }
0x82: {  	_ =	shalt  }
0x83: {  	_ =	shalt  }
0x84: {  	_ =	shalt  }
0x85: {  	_ =	shalt  }
0x86: {  	_ =	shalt  }
0x87: {  	_ =	shalt  }
.Lfunc_end0:
.L_simem_size_0:
called_computation_lowered:
.L_overlay_start_0:
0x88: {  	s2 =	sld [smem:$0x3FD9]  }
0x89: {  	s3 =	sld [smem:$0x3FFE];
	_ =	sdelay $0x1  }
0x8a: {  	s1 =	srdreg.scid  }
0x8b: {  	s0 =	sand.u32 $0x1, s1  }
0x8c: {  	s17 =	sshll.u32 s0, $0xA;
	s2 =	sadd.s32 s3, s2  }
0x8d: {  	s2 =	sadd.s32 s2, s17  }
0x8e: {  	[smem:$0x3FC4] =	sst s2  }
0x8f: {  	_ = 	snop  }
0x90: {  	s2 =	sld [smem:$0x3FC9]  }
0x91: {  	s18 =	sld [smem:$0x3FD0];
	(tm) =	ssettm $0x1  }
0x92: {  	s4 =	sld [smem:$0x3FFB];
	_ =	sdelay $0x3  }
0x93: {  	_ =	strace s4  }
0x94: {  	s4 =	sld [smem:$0x3FFC];
	_ =	sdelay $0x3  }
0x95: {  	_ =	strace s4  }
0x96: {  	s4 =	sld [smem:$0x3FFD];
	_ =	sdelay $0x3  }
0x97: {  	_ =	strace s4  }
0x98: {  	_ =	strace $0x8FFFFFFF  }
0x99: {  	s19 =	sld [smem:$0x3FDB];
	_ =	sdelay $0x1  }
0x9a: {  	s5 =	simm.s32 $_scs_section_size  }
0x9b: {  	s6 =	simm.s32 $_size__tile_overlayer_lowered;
	s7 =	simm.s32 $_tile_overlayer_lowered  }
0x9c: {  	s22 =	simm.s32 $0x1BFF;
	s21 =	sshll.u32 s7, $0x1;
	s4 =	sadd.s32 s5, s19  }
0x9d: {  	s8 =	simm.s32 $0x0;
	s20 =	sshll.u32 s6, $0x1;
	s6 =	sadd.s32 s21, s4  }
0x9e: {  	[timem:s8], [sflag:s22] =	dma.local [hbm:s6], s20  }
0x9f: {  	_ =	swait.ge [sflag:s22], s20  }
0xa0: {  	s5 =	ssub.s32 $0x0, s20;
	[sflag:s22] =	ssyncset.done $0x0  }
0xa1: {  	[sflag:s22] =	ssyncadd.s32 s5;
	_ =	sdelay $0x1  }
0xa2: {  	s23 =	simm.s32 $0x1B8B  }
0xa3: {  	_ =	swait.ge [sflag:s23], $0x1  }
0xa4: {  	[sflag:s23] =	ssyncset.done $0x0  }
0xa5: {  	s25 =	simm.s32 $0x1B8E;
	s24 =	sld [smem:$0x3FFE];
	[sflag:s23] =	ssyncadd.s32 $0xFFFFFFFF  }
0xa6: {  	s26 =	simm.s32 $execute0_lowered;
	[smem:$0x3FD2] =	sst s25  }
0xa7: {  	s6 =	sshll.u32 s26, $0x1;
	_ =	strace $0x80000046;
	[dreg:$0x1] =	wrdreg $0xFFFFFFFF  }
0xa8: {  	s28 =	simm.s32 $_size_execute0_lowered;
	s4 =	sadd.s32 s4, s6;
	[dreg:$0x0] =	wrdreg $0x0  }
0xa9: {  	s6 =	sshll.u32 s28, $0x1;
	[dreg:$0x2] =	wrdreg s4  }
0xaa: {  	[dreg:$0x3] =	wrdreg s6  }
0xab: {  	[dreg:$0x4] =	wrdreg $0xC0  }
0xac: {  	_ =	task [dreg:s8], $0x5FFFF  }
0xad: {  	[dreg:$0x1] =	wrdreg $0xFFFFFFFF  }
0xae: {  	[dreg:$0x0] =	wrdreg $0x60  }
0xaf: {  	[dreg:$0x2] =	wrdreg s2  }
0xb0: {  	[dreg:$0x3] =	wrdreg s18  }
0xb1: {  	[dreg:$0x4] =	wrdreg s24  }
0xb2: {  	[dreg:$0x5] =	wrdreg $0x9  }
0xb3: {  	_ =	task.clear_ibuf [dreg:s8], $0x6FFFF;
	_ =	strace $0x90000046  }
0xb4: {  	s29 =	simm.s32 $0x9;
	_ =	strace $0x80000048  }
0xb5: {  	_ =	swait.ge [sflag:s29], $0x1  }
0xb6: {  	[sflag:s29] =	ssyncadd.s32 $0xFFFFFFFF  }
0xb7: {  	_ =	strace $0x90000048  }
0xb8: {  	_ =	sfence  }
0xb9: {  	s30 =	sld [smem:$0x0];
	_ =	sdelay $0x2  }
0xba: {  	s31 =	sshll.u32 s1, $0xD;
	s1 =	sshrl.u32 s1, $0x2  }
0xbb: {  	s3 =	sand.u32 $0x4000, s31;
	s1 =	sadd.s32 s1, s30  }
0xbc: {  	s0 =	sor.u32 s3, s0;
	s1 =	sshll.u32 s1, $0x11  }
0xbd: {  	s0 =	sor.u32 s1, s0  }
0xbe: {  	s0 =	sadd.s32 $0x8F2B, s0  }
0xbf: {  	[sflag:s0] =	ssyncadd.remote.s32 $0x1  }
0xc0: {  	_ =	sfence.sel $0xFFFF  }
0xc1: {  	[dreg:$0x0] =	wrdreg $0xFFFFFFFF;
	(pc) =	sbr.abs _section_cstart, $3  }
0xc2: {  	[dreg:$0x1] =	wrdreg $0xFFFFFFFF  }
0xc3: {  	_ =	task.clear_ibuf [dreg:s8], $0x2FFFF;
	_ =	strace $0x9FFFFFFF  }
0xc4: {  	(tm) =	ssettm $0x7FFFFFFF  }
0xc5: {  	_ =	shalt  }
tec
execute0_lowered:
.L_overlay_start_1:
0x0: {  	(tag) =	ssettag $0x1  }
0x1: {  	s2 =	rddreg [dreg:$0x0]  }
0x2: {  	s5 =	rddreg [dreg:$0x1]  }
0x3: {  	s0 =	stileid.u32;
	s1 =	srdreg.scid  }
0x4: {  	s6 =	rddreg [dreg:$0x2];
	s7 =	sand.u32 $0x1, s1;
	s4 =	sshll.u32 s0, $0x1  }
0x5: {  	s3 =	simm.s32 $0x0;
	s1 =	rddreg [dreg:$0x3];
	s8 =	sor.u32 s7, s4  }
0x6: {  	[smem:$0x7FF] =	sst s3;
	s4 =	sshll.u32 s8, $0xB  }
0x7: {  	_ =	strace $0x80000047;
	s4 =	sadd.s32 s2, s4;
	s2 =	simm.s32 $0x1  }
0x8: {  	[tilespmem:s3], [sflag:$0x1] =	stream.linear.gather [hbm4b:s4+s3], $0x4000, $0x38;
	[tilespmem:$0x4300] =	vst v63  }
0x9: {  	_ =	swait.ge [sflag:s2], $0x4000  }
0xa: {  	s9 =	sshll.u32 s0, $0x6;
	s10 =	ssub.s32 $0x2, s7;
	[sflag:s2] =	ssyncset.done $0x0  }
0xb: {  	v0 =	vimm.s32 $0x0;
	s9 =	sand.u32 $0x300, s9;
	s29 =	sshrl.u32 s10, $0x1;
	[sflag:s2] =	ssyncadd.s32 $0xFFFFC000  }
0xc: {  	s6 =	sadd.s32 s9, s6;
	s9 =	ssub.s32 s10, s29;
	[tilespmem:$0x4180] =	vst v0  }
0xd: {  	s11 =	smax.u32 s9, $0x1;
	[tilespmem:$0x42F0] =	vst v0  }
0xe: {  	p0 =	sne.s32 s11, $0x1;
	[tilespmem:$0x4100] =	vst v0  }
.Ltmp0:
0xf: {  	s7 =	sshll.u32 s7, $0x6;
	[tilespmem:$0x42E0] =	vst v0;
	(pc) =	sbr.rel @!p0 .LBB2_2-.Ltmp0, $4  }
0x10: {  	s30 =	sshll.u32 s0, $0x7;
	s8 =	sshll.u32 s8, $0x4;
	s5 =	sadd.s32 s5, s7;
	[tilespmem:$0x4080] =	vst v0  }
0x11: {  	s7 =	simm.s32 $0x80;
	s8 =	sand.u32 $0x70, s8;
	s10 =	simm.s32 $0x4200;
	[tilespmem:$0x42D0] =	vst v0  }
0x12: {  	s31 =	sadd.s32 s8, s6;
	s6 =	sadd.s32 s30, s5;
	s8 =	simm.s32 $0x4000;
	[tilespmem:$0x4000] =	vst v0  }
0x13: {  	s9 =	simm.s32 $0x400;
	s5 =	sadd.s32 $0xE00, s31;
	s11 =	sadd.s32 $0xFFFFFFFF, s11;
	[tilespmem:$0x42C0] =	vst v0  }
.LBB2_1:
0x14: {  	p0 =	sne.s32 s11, $0x1;
	s11 =	sadd.s32 $0xFFFFFFFF, s11;
	[tilespmem:$0x42B0] =	vst v0  }
0x15: {  	[tilespmem:$0x42A0] =	vst v0  }
0x16: {  	[tilespmem:$0x4290] =	vst v0  }
0x17: {  	[tilespmem:$0x4280] =	vst v0  }
0x18: {  	[tilespmem:$0x4270] =	vst v0  }
0x19: {  	[tilespmem:$0x4260] =	vst v0  }
0x1a: {  	[tilespmem:$0x4250] =	vst v0  }
0x1b: {  	[tilespmem:$0x4240] =	vst v0  }
0x1c: {  	[tilespmem:$0x4230] =	vst v0  }
0x1d: {  	[tilespmem:$0x4220] =	vst v0  }
0x1e: {  	[tilespmem:$0x4200] =	vst v0  }
0x1f: {  	[tilespmem:$0x4210] =	vst v0  }
0x20: {  	[hbm4b:s6+s3] =	stream.linear.scatter [tilespmem:s8], [sflag:$0x1], $0x200, $0x38;
	[tilespmem:$0x4300] =	vst v63  }
0x21: {  	_ =	swait.ge [sflag:s2], $0x200  }
0x22: {  	[sflag:s2] =	ssyncset.done $0x0  }
0x23: {  	[sflag:s2] =	ssyncadd.s32 $0xFFFFFE00  }
0x24: {  	[hbm4b:s5+s7] =	stream.strided.scatter [tilespmem:s10], [sflag:$0x1], $0x100, s9, s7, $0x38;
	[tilespmem:$0x4300] =	vst v63  }
0x25: {  	_ =	swait.ge [sflag:s2], $0x100  }
0x26: {  	[sflag:s2] =	ssyncset.done $0x0  }
0x27: {  	[sflag:s2] =	ssyncadd.s32 $0xFFFFFF00  }
0x28: {  	[tilespmem:s3], [sflag:$0x1] =	stream.linear.gather [hbm4b:s4+s3], $0x4000, $0x38;
	[tilespmem:$0x4300] =	vst v63  }
0x29: {  	_ =	swait.ge [sflag:s2], $0x4000  }
0x2a: {  	[sflag:s2] =	ssyncset.done $0x0  }
0x2b: {  	[sflag:s2] =	ssyncadd.s32 $0xFFFFC000  }
0x2c: {  	[tilespmem:$0x4180] =	vst v0  }
0x2d: {  	[tilespmem:$0x42F0] =	vst v0  }
0x2e: {  	[tilespmem:$0x4100] =	vst v0  }
.Ltmp1:
0x2f: {  	[tilespmem:$0x42E0] =	vst v0;
	(pc) =	sbr.rel @p0 .LBB2_1-.Ltmp1, $4  }
0x30: {  	[tilespmem:$0x4080] =	vst v0  }
0x31: {  	[tilespmem:$0x42D0] =	vst v0  }
0x32: {  	[tilespmem:$0x4000] =	vst v0  }
0x33: {  	[tilespmem:$0x42C0] =	vst v0  }
.LBB2_2:
0x34: {  	[tilespmem:$0x42B0] =	vst v0  }
0x35: {  	[tilespmem:$0x42A0] =	vst v0  }
0x36: {  	[tilespmem:$0x4290] =	vst v0  }
0x37: {  	[tilespmem:$0x4280] =	vst v0  }
0x38: {  	[tilespmem:$0x4270] =	vst v0  }
0x39: {  	[tilespmem:$0x4260] =	vst v0  }
0x3a: {  	[tilespmem:$0x4250] =	vst v0  }
0x3b: {  	[tilespmem:$0x4240] =	vst v0  }
0x3c: {  	[tilespmem:$0x4230] =	vst v0  }
0x3d: {  	[tilespmem:$0x4220] =	vst v0  }
0x3e: {  	[tilespmem:$0x4200] =	vst v0  }
0x3f: {  	[tilespmem:$0x4210] =	vst v0  }
0x40: {  	[hbm4b:s6+s3] =	stream.linear.scatter [tilespmem:s8], [sflag:$0x1], $0x200, $0x38;
	[tilespmem:$0x4300] =	vst v63  }
0x41: {  	_ =	swait.ge [sflag:s2], $0x200  }
0x42: {  	[sflag:s2] =	ssyncset.done $0x0  }
0x43: {  	[sflag:s2] =	ssyncadd.s32 $0xFFFFFE00  }
0x44: {  	[hbm4b:s5+s7] =	stream.strided.scatter [tilespmem:s10], [sflag:$0x1], $0x100, s9, s7, $0x38;
	[tilespmem:$0x4300] =	vst v63  }
0x45: {  	_ =	swait.ge [sflag:s2], $0x100  }
0x46: {  	[sflag:s2] =	ssyncset.done $0x0  }
0x47: {  	[sflag:s2] =	ssyncadd.s32 $0xFFFFFF00  }
0x48: {  	_ =	sfence.sel $0x180000  }
0x49: {  	[bflag:$0x0] =	sbarrier.arrive $0xFFFF  }
0x4a: {  	p0 =	sne.s32 s0, $0x0;
	_ =	strace $0x90000047  }
0x4b: {  	s0 =	sadd.s32 @!p0 $0x100000, s1;
	[bflag:$0x2] =	sbarrier.arrive $0xFFFF  }
0x4c: {  	[sflag:s0] =	ssyncadd.tile.s32 @!p0 $0x1;
	_ =	shalt  }
.Lfunc_end2:
_tile_overlayer_lowered:
.L_overlay_start_2:
0x4d: {  	(tag) =	ssettag $0x2  }
0x4e: {  	s0 =	rddreg [dreg:$0x0];
	s2 =	stileid.u32  }
0x4f: {  	s1 =	rddreg [dreg:$0x1];
	p0 =	sne.s32 s2, $0x0  }
0x50: {  	s3 =	rddreg [dreg:$0x2];
	[bflag:$0x3] =	sbarrier.arrive $0xFFFF;
	s2 =	simm.s32 @!p0 $0x1C01  }
0x51: {  	[timem:s3], [sflag:s2] =	dma.local @!p0 [hbm:s0], s1  }
0x52: {  	s0 =	simm.s32 @!p0 $0x1  }
0x53: {  	_ =	swait.ge @!p0 [sflag:s0], s1  }
0x54: {  	s1 =	ssub.s32 @!p0 $0x0, s1;
	[sflag:s0] =	ssyncset.done @!p0 $0x0  }
0x55: {  	[sflag:s0] =	ssyncadd.s32 @!p0 s1  }
0x56: {  	[bflag:$0x3] =	sbarrier.arrive $0xFFFF  }
0x57: {  	_ =	shalt  }

</sc_bundles>
